<compile_context>
chip_gen: v7x
topology: tpu7x:2x2x1
jax: 0.10.2.dev20260603
libtpu: 0.0.44.dev20260713+nightly
codegen_flags: <defaults>
</compile_context>

<pallas_src>
import functools

import jax
import jax.numpy as jnp
from jax import lax
from jax.experimental import pallas as pl
from jax.experimental.pallas import tpu as pltpu
from jax.experimental.pallas import tpu_sc as plsc

N = 10000
E = 320000
D = 128

_NC = 2
_NS = 16
_NW = _NC * _NS
_K = 200
_EPW = E // _NW
_CHUNKS = _EPW // _K
_RPS = 624
_TAIL = N - _NS * _RPS


def _make_agg():
    mesh = plsc.VectorSubcoreMesh(core_axis_name="c", subcore_axis_name="s")

    @functools.partial(
        pl.kernel,
        mesh=mesh,
        out_type=jax.ShapeDtypeStruct((_NC, N, D), jnp.float32),
        scratch_types=[
            pltpu.VMEM((_K,), jnp.int32),
            pltpu.VMEM((_K,), jnp.int32),
            pltpu.VMEM((_K, D), jnp.float32),
            pltpu.VMEM_SHARED((N, D), jnp.float32),
            pltpu.SemaphoreType.DMA,
        ],
    )
    def agg_kernel(x_hbm, edge_hbm, out_hbm, src_v, dst_v, rows_v, agg_sh, sem):
        c = lax.axis_index("c")
        s = lax.axis_index("s")

        def zero_row(i, carry):
            for j in range(D // 16):
                rows_v[i, pl.ds(j * 16, 16)] = jnp.zeros((16,), jnp.float32)
            return carry

        lax.fori_loop(0, _K, zero_row, 0)
        r0 = s * _RPS
        for off in range(0, _RPS, _K):
            w = min(_K, _RPS - off)
            pltpu.sync_copy(rows_v.at[pl.ds(0, w)], agg_sh.at[pl.ds(r0 + off, w)])

        @pl.when(s == _NS - 1)
        def _zero_tail():
            pltpu.sync_copy(rows_v.at[pl.ds(0, _TAIL)],
                            agg_sh.at[pl.ds(_NS * _RPS, _TAIL)])

        plsc.subcore_barrier()

        e0 = (c * _NS + s) * _EPW

        def body(i, carry):
            base = e0 + i * _K
            pltpu.sync_copy(edge_hbm.at[pl.ds(base, _K)], src_v)
            pltpu.sync_copy(edge_hbm.at[pl.ds(E + base, _K)], dst_v)
            pltpu.async_copy(x_hbm.at[src_v], rows_v, sem).wait()
            pltpu.sync_copy(rows_v, agg_sh.at[dst_v], add=True)
            return carry

        lax.fori_loop(0, _CHUNKS, body, 0)

        plsc.subcore_barrier()
        pltpu.sync_copy(agg_sh.at[pl.ds(r0, _RPS)],
                        out_hbm.at[c, pl.ds(r0, _RPS)])

        @pl.when(s == _NS - 1)
        def _write_tail():
            pltpu.sync_copy(agg_sh.at[pl.ds(_NS * _RPS, _TAIL)],
                            out_hbm.at[c, pl.ds(_NS * _RPS, _TAIL)])

    return agg_kernel


_AGG = _make_agg()

_R = 2000


def _dense_body(p_ref, x_ref, wl_ref, wr_ref, w1_ref, w2_ref, w3_ref,
                b0_ref, b1_ref, b2_ref, b3_ref, out_ref):
    agg = p_ref[0] + p_ref[1]
    h = (jnp.dot(agg, wl_ref[...], preferred_element_type=jnp.float32)
         + jnp.dot(x_ref[...], wr_ref[...], preferred_element_type=jnp.float32)
         + b0_ref[...])
    h = jnp.maximum(h, 0.0)
    h = jnp.maximum(
        jnp.dot(h, w1_ref[...], preferred_element_type=jnp.float32) + b1_ref[...], 0.0)
    h = jnp.maximum(
        jnp.dot(h, w2_ref[...], preferred_element_type=jnp.float32) + b2_ref[...], 0.0)
    out_ref[...] = (
        jnp.dot(h, w3_ref[...], preferred_element_type=jnp.float32) + b3_ref[...])


def _dense(p, x, wl_t, wr_t, w1_t, w2_t, w3_t, b0, b1, b2, b3):
    full = lambda i: (0, 0)
    return pl.pallas_call(
        _dense_body,
        grid=(N // _R,),
        in_specs=[
            pl.BlockSpec((_NC, _R, D), lambda i: (0, i, 0)),
            pl.BlockSpec((_R, D), lambda i: (i, 0)),
            pl.BlockSpec((D, D), full),
            pl.BlockSpec((D, D), full),
            pl.BlockSpec((D, D), full),
            pl.BlockSpec((D, D), full),
            pl.BlockSpec((D, D), full),
            pl.BlockSpec((1, D), full),
            pl.BlockSpec((1, D), full),
            pl.BlockSpec((1, D), full),
            pl.BlockSpec((1, D), full),
        ],
        out_specs=pl.BlockSpec((_R, D), lambda i: (i, 0)),
        out_shape=jax.ShapeDtypeStruct((N, D), jnp.float32),
    )(p, x, wl_t, wr_t, w1_t, w2_t, w3_t, b0, b1, b2, b3)


def kernel(x, edge_index, W_l, b_l, W_r, bn_gamma, bn_beta, W1, b1, W2, b2, W3, b3):
    sc = bn_gamma / jnp.sqrt(1.0 + 1e-5)
    wl_t = W_l.T * sc[None, :]
    wr_t = W_r.T * sc[None, :]
    b0 = (b_l * sc + bn_beta)[None, :]
    partials = _AGG(x, edge_index.reshape(2 * E))
    return _dense(partials, x, wl_t, wr_t, W1.T, W2.T, W3.T,
                  b0, b1[None, :], b2[None, :], b3[None, :])

# --- scband reference (transcript-rebuilt; emitter-appended) ---
"""Pipeline reference for scband-graph-sage-41832981463453 (READ-ONLY COPY).

The authoritative reference and input builder live on the scoring server;
editing this copy changes nothing except your own understanding.
"""

import jax, jax.numpy as jnp
import numpy as np

N = 10000
E = 320000
D_IN = 128
D_EMB = 128
D_OUT = 128
BN_EPS = 1e-5


def _glorot(key, shape):
    fan_out, fan_in = shape
    lim = (6.0 / (fan_in + fan_out)) ** 0.5
    return jax.random.uniform(key, shape, jnp.float32, -lim, lim)


def setup_inputs(seed: int = 0) -> dict:
    key = jax.random.key(seed)
    ks = jax.random.split(key, 12)
    x = jax.random.normal(ks[0], (N, D_IN), dtype=jnp.float32)
    edge_index = jax.random.randint(ks[1], (2, E), 0, N, dtype=jnp.int32)
    # SAGEConv layer 0 params (only convs[0]/batch_norms[0] execute because
    # zip(convs, batch_norms) is truncated to num_layers-1 = 1 iteration)
    W_l = _glorot(ks[2], (D_EMB, D_IN))          # lin_l: applied to aggregated messages (has bias)
    b_l = jnp.zeros((D_EMB,), jnp.float32)
    W_r = _glorot(ks[3], (D_EMB, D_IN))          # lin_r: root weight (no bias in PyG SAGEConv)
    bn_gamma = jnp.ones((D_EMB,), jnp.float32)
    bn_beta = jnp.zeros((D_EMB,), jnp.float32)
    W1 = _glorot(ks[4], (D_EMB, D_EMB))
    b1 = jnp.zeros((D_EMB,), jnp.float32)
    W2 = _glorot(ks[5], (D_EMB, D_EMB))
    b2 = jnp.zeros((D_EMB,), jnp.float32)
    W3 = _glorot(ks[6], (D_OUT, D_EMB))
    b3 = jnp.zeros((D_OUT,), jnp.float32)
    return {
        "x": x, "edge_index": edge_index,
        "W_l": W_l, "b_l": b_l, "W_r": W_r,
        "bn_gamma": bn_gamma, "bn_beta": bn_beta,
        "W1": W1, "b1": b1, "W2": W2, "b2": b2, "W3": W3, "b3": b3,
    }


def reference(x, edge_index, W_l, b_l, W_r, bn_gamma, bn_beta, W1, b1, W2, b2, W3, b3):
    src = edge_index[0]
    dst = edge_index[1]
    # SAGEConv with aggr='sum': gather source features, scatter-add to destinations
    msg = jnp.take(x, src, axis=0)                       # [E, D_IN] gather
    agg = jax.ops.segment_sum(msg, dst, num_segments=N)  # [N, D_IN] scatter-add
    h = agg @ W_l.T + b_l + x @ W_r.T                    # lin_l(agg) + lin_r(x)
    # BatchNorm in eval mode: running_mean=0, running_var=1
    h = (h / jnp.sqrt(1.0 + BN_EPS)) * bn_gamma + bn_beta
    h = jax.nn.relu(h)
    # dropout is identity in eval mode
    h = jax.nn.relu(h @ W1.T + b1)
    h = jax.nn.relu(h @ W2.T + b2)
    out = h @ W3.T + b3
    return out

if __name__ == "__main__":
    import jax
    _d = setup_inputs()
    print(jax.jit(kernel)(*tuple(_d.values())))

</pallas_src>

<mosaic_0001>
#map = affine_map<(d0, d1) -> (0, 0)>
#map1 = affine_map<(d0, d1) -> (0)>
#map2 = affine_map<(d0, d1) -> (0, 0, 0)>
module attributes {stable_mosaic.version = 14 : i64} {
  func.func @agg_kernel(%arg0: i32, %arg1: i32, %arg2: memref<10000x128xf32, #tpu.memory_space<hbm>>, %arg3: memref<640000xi32, #tpu.memory_space<hbm>>, %arg4: memref<2x10000x128xf32, #tpu.memory_space<hbm>>, %arg5: memref<200xi32, #tpu.memory_space<vmem>>, %arg6: memref<200xi32, #tpu.memory_space<vmem>>, %arg7: memref<200x128xf32, #tpu.memory_space<vmem>>, %arg8: memref<10000x128xf32, #tpu.memory_space<vmem_shared>>, %arg9: memref<!tpu.dma_semaphore, #tpu.memory_space<semaphore_mem>>) attributes {dimension_semantics = [#tpu.dimension_semantics<core_parallel>, #tpu.dimension_semantics<subcore_parallel>], iteration_bounds = array<i64: 2, 16>, scalar_prefetch = 0 : i64, scratch_operands = 5 : i64, tpu.core_type = #tpu.core_type<sc_vector_subcore>, window_params = [{transform_indices = #map}, {transform_indices = #map1}, {transform_indices = #map2}]} {
    %scan3A = arith.constant 0 : i32
    %scan3A_0 = arith.constant 0 : i32
    %scan3A_1 = arith.constant 200 : i32
    %scan3A_2 = arith.addi %scan3A_0, %scan3A_1 : i32
    %scan3A_3 = arith.constant 1 : i32
    scf.for %scan3A_32 = %scan3A_0 to %scan3A_2 step %scan3A_3  : i32 {
      %broadcast_in_dim3A = arith.constant 0.000000e+00 : f32
      %broadcast_in_dim3A_33 = vector.broadcast %broadcast_in_dim3A : f32 to vector<16xf32>
      %swap3A = arith.index_cast %scan3A_32 : i32 to index
      %swap3A_34 = arith.constant 0 : index
      %swap3A_35 = tpu.vector_load %arg7[%swap3A, %swap3A_34] {strides = array<i32>} : memref<200x128xf32, #tpu.memory_space<vmem>>, vector<1x16xf32>,
      %swap3A_36 = vector.shape_cast %swap3A_35 : vector<1x16xf32> to vector<16xf32>
      %swap3A_37 = vector.shape_cast %broadcast_in_dim3A_33 : vector<16xf32> to vector<1x16xf32>
      tpu.vector_store %arg7[%swap3A, %swap3A_34], %swap3A_37 {strides = array<i32>} : memref<200x128xf32, #tpu.memory_space<vmem>>, vector<1x16xf32>,
      %broadcast_in_dim3A_38 = arith.constant 0.000000e+00 : f32
      %broadcast_in_dim3A_39 = vector.broadcast %broadcast_in_dim3A_38 : f32 to vector<16xf32>
      %swap3A_40 = arith.index_cast %scan3A_32 : i32 to index
      %swap3A_41 = arith.constant 16 : index
      %swap3A_42 = tpu.vector_load %arg7[%swap3A_40, %swap3A_41] {strides = array<i32>} : memref<200x128xf32, #tpu.memory_space<vmem>>, vector<1x16xf32>,
      %swap3A_43 = vector.shape_cast %swap3A_42 : vector<1x16xf32> to vector<16xf32>
      %swap3A_44 = vector.shape_cast %broadcast_in_dim3A_39 : vector<16xf32> to vector<1x16xf32>
      tpu.vector_store %arg7[%swap3A_40, %swap3A_41], %swap3A_44 {strides = array<i32>} : memref<200x128xf32, #tpu.memory_space<vmem>>, vector<1x16xf32>,
      %broadcast_in_dim3A_45 = arith.constant 0.000000e+00 : f32
      %broadcast_in_dim3A_46 = vector.broadcast %broadcast_in_dim3A_45 : f32 to vector<16xf32>
      %swap3A_47 = arith.index_cast %scan3A_32 : i32 to index
      %swap3A_48 = arith.constant 32 : index
      %swap3A_49 = tpu.vector_load %arg7[%swap3A_47, %swap3A_48] {strides = array<i32>} : memref<200x128xf32, #tpu.memory_space<vmem>>, vector<1x16xf32>,
      %swap3A_50 = vector.shape_cast %swap3A_49 : vector<1x16xf32> to vector<16xf32>
      %swap3A_51 = vector.shape_cast %broadcast_in_dim3A_46 : vector<16xf32> to vector<1x16xf32>
      tpu.vector_store %arg7[%swap3A_47, %swap3A_48], %swap3A_51 {strides = array<i32>} : memref<200x128xf32, #tpu.memory_space<vmem>>, vector<1x16xf32>,
      %broadcast_in_dim3A_52 = arith.constant 0.000000e+00 : f32
      %broadcast_in_dim3A_53 = vector.broadcast %broadcast_in_dim3A_52 : f32 to vector<16xf32>
      %swap3A_54 = arith.index_cast %scan3A_32 : i32 to index
      %swap3A_55 = arith.constant 48 : index
      %swap3A_56 = tpu.vector_load %arg7[%swap3A_54, %swap3A_55] {strides = array<i32>} : memref<200x128xf32, #tpu.memory_space<vmem>>, vector<1x16xf32>,
      %swap3A_57 = vector.shape_cast %swap3A_56 : vector<1x16xf32> to vector<16xf32>
      %swap3A_58 = vector.shape_cast %broadcast_in_dim3A_53 : vector<16xf32> to vector<1x16xf32>
      tpu.vector_store %arg7[%swap3A_54, %swap3A_55], %swap3A_58 {strides = array<i32>} : memref<200x128xf32, #tpu.memory_space<vmem>>, vector<1x16xf32>,
      %broadcast_in_dim3A_59 = arith.constant 0.000000e+00 : f32
      %broadcast_in_dim3A_60 = vector.broadcast %broadcast_in_dim3A_59 : f32 to vector<16xf32>
      %swap3A_61 = arith.index_cast %scan3A_32 : i32 to index
      %swap3A_62 = arith.constant 64 : index
      %swap3A_63 = tpu.vector_load %arg7[%swap3A_61, %swap3A_62] {strides = array<i32>} : memref<200x128xf32, #tpu.memory_space<vmem>>, vector<1x16xf32>,
      %swap3A_64 = vector.shape_cast %swap3A_63 : vector<1x16xf32> to vector<16xf32>
      %swap3A_65 = vector.shape_cast %broadcast_in_dim3A_60 : vector<16xf32> to vector<1x16xf32>
      tpu.vector_store %arg7[%swap3A_61, %swap3A_62], %swap3A_65 {strides = array<i32>} : memref<200x128xf32, #tpu.memory_space<vmem>>, vector<1x16xf32>,
      %broadcast_in_dim3A_66 = arith.constant 0.000000e+00 : f32
      %broadcast_in_dim3A_67 = vector.broadcast %broadcast_in_dim3A_66 : f32 to vector<16xf32>
      %swap3A_68 = arith.index_cast %scan3A_32 : i32 to index
      %swap3A_69 = arith.constant 80 : index
      %swap3A_70 = tpu.vector_load %arg7[%swap3A_68, %swap3A_69] {strides = array<i32>} : memref<200x128xf32, #tpu.memory_space<vmem>>, vector<1x16xf32>,
      %swap3A_71 = vector.shape_cast %swap3A_70 : vector<1x16xf32> to vector<16xf32>
      %swap3A_72 = vector.shape_cast %broadcast_in_dim3A_67 : vector<16xf32> to vector<1x16xf32>
      tpu.vector_store %arg7[%swap3A_68, %swap3A_69], %swap3A_72 {strides = array<i32>} : memref<200x128xf32, #tpu.memory_space<vmem>>, vector<1x16xf32>,
      %broadcast_in_dim3A_73 = arith.constant 0.000000e+00 : f32
      %broadcast_in_dim3A_74 = vector.broadcast %broadcast_in_dim3A_73 : f32 to vector<16xf32>
      %swap3A_75 = arith.index_cast %scan3A_32 : i32 to index
      %swap3A_76 = arith.constant 96 : index
      %swap3A_77 = tpu.vector_load %arg7[%swap3A_75, %swap3A_76] {strides = array<i32>} : memref<200x128xf32, #tpu.memory_space<vmem>>, vector<1x16xf32>,
      %swap3A_78 = vector.shape_cast %swap3A_77 : vector<1x16xf32> to vector<16xf32>
      %swap3A_79 = vector.shape_cast %broadcast_in_dim3A_74 : vector<16xf32> to vector<1x16xf32>
      tpu.vector_store %arg7[%swap3A_75, %swap3A_76], %swap3A_79 {strides = array<i32>} : memref<200x128xf32, #tpu.memory_space<vmem>>, vector<1x16xf32>,
      %broadcast_in_dim3A_80 = arith.constant 0.000000e+00 : f32
      %broadcast_in_dim3A_81 = vector.broadcast %broadcast_in_dim3A_80 : f32 to vector<16xf32>
      %swap3A_82 = arith.index_cast %scan3A_32 : i32 to index
      %swap3A_83 = arith.constant 112 : index
      %swap3A_84 = tpu.vector_load %arg7[%swap3A_82, %swap3A_83] {strides = array<i32>} : memref<200x128xf32, #tpu.memory_space<vmem>>, vector<1x16xf32>,
      %swap3A_85 = vector.shape_cast %swap3A_84 : vector<1x16xf32> to vector<16xf32>
      %swap3A_86 = vector.shape_cast %broadcast_in_dim3A_81 : vector<16xf32> to vector<1x16xf32>
      tpu.vector_store %arg7[%swap3A_82, %swap3A_83], %swap3A_86 {strides = array<i32>} : memref<200x128xf32, #tpu.memory_space<vmem>>, vector<1x16xf32>,
    }
    %scan3A_4 = arith.constant 200 : i32
    %mul3A = arith.constant 624 : i32
    %mul3A_5 = arith.muli %arg1, %mul3A : i32
    %add3A = arith.constant 0 : i32
    %add3A_6 = arith.addi %mul3A_5, %add3A : i32
    "tpu.region"() ({
      %run_scoped3A = tpu.sem_alloc : memref<!tpu.dma_semaphore, #tpu.memory_space<semaphore_mem>>
      %dma_start3A = arith.constant 0 : i32
      %dma_start3A_32 = arith.constant 0 : i32
      %dma_start3A_33 = tpu.memref_slice %arg7[%dma_start3A, %dma_start3A_32] : memref<200x128xf32, #tpu.memory_space<vmem>> -> memref<200x128xf32, #tpu.memory_space<vmem>>
      %dma_start3A_34 = arith.constant 0 : i32
      %dma_start3A_35 = tpu.memref_slice %arg8[%add3A_6, %dma_start3A_34] : memref<10000x128xf32, #tpu.memory_space<vmem_shared>> -> memref<200x128xf32, #tpu.memory_space<vmem_shared>>
      %dma_start3A_36 = arith.constant 0 : i32
      %dma_start3A_37 = tpu.memref_slice %arg8[%add3A_6, %dma_start3A_36] : memref<10000x128xf32, #tpu.memory_space<vmem_shared>> -> memref<200x128xf32, #tpu.memory_space<vmem_shared>>
      %dma_start3A_38 = arith.constant 0 : i32
      %dma_start3A_39 = arith.constant 0 : i32
      %dma_start3A_40 = tpu.memref_slice %arg7[%dma_start3A_38, %dma_start3A_39] : memref<200x128xf32, #tpu.memory_space<vmem>> -> memref<200x128xf32, #tpu.memory_space<vmem>>
      tpu.enqueue_dma source(%dma_start3A_40 : memref<200x128xf32, #tpu.memory_space<vmem>>) target(%dma_start3A_37 : memref<200x128xf32, #tpu.memory_space<vmem_shared>>) target_semaphore(%run_scoped3A : memref<!tpu.dma_semaphore, #tpu.memory_space<semaphore_mem>>)
      %dma_wait3A = arith.constant 0 : i32
      %dma_wait3A_41 = arith.constant 0 : i32
      %dma_wait3A_42 = tpu.memref_slice %arg7[%dma_wait3A, %dma_wait3A_41] : memref<200x128xf32, #tpu.memory_space<vmem>> -> memref<200x128xf32, #tpu.memory_space<vmem>>
      %dma_wait3A_43 = arith.constant 0 : i32
      %dma_wait3A_44 = tpu.memref_slice %arg8[%add3A_6, %dma_wait3A_43] : memref<10000x128xf32, #tpu.memory_space<vmem_shared>> -> memref<200x128xf32, #tpu.memory_space<vmem_shared>>
      %dma_wait3A_45 = arith.constant 0 : i32
      %dma_wait3A_46 = tpu.memref_slice %arg8[%add3A_6, %dma_wait3A_45] : memref<10000x128xf32, #tpu.memory_space<vmem_shared>> -> memref<200x128xf32, #tpu.memory_space<vmem_shared>>
      %dma_wait3A_47 = arith.constant 0 : i32
      %dma_wait3A_48 = arith.constant 0 : i32
      %dma_wait3A_49 = tpu.memref_slice %arg7[%dma_wait3A_47, %dma_wait3A_48] : memref<200x128xf32, #tpu.memory_space<vmem>> -> memref<200x128xf32, #tpu.memory_space<vmem>>
      tpu.wait_dma2 semaphore(%run_scoped3A : memref<!tpu.dma_semaphore, #tpu.memory_space<semaphore_mem>>) src(%dma_wait3A_49 : memref<200x128xf32, #tpu.memory_space<vmem>>) dst(%dma_wait3A_46 : memref<200x128xf32, #tpu.memory_space<vmem_shared>>)
      tpu.yield
    }) : () -> ()
    %add3A_7 = arith.constant 200 : i32
    %add3A_8 = arith.addi %mul3A_5, %add3A_7 : i32
    "tpu.region"() ({
      %run_scoped3A = tpu.sem_alloc : memref<!tpu.dma_semaphore, #tpu.memory_space<semaphore_mem>>
      %dma_start3A = arith.constant 0 : i32
      %dma_start3A_32 = arith.constant 0 : i32
      %dma_start3A_33 = tpu.memref_slice %arg7[%dma_start3A, %dma_start3A_32] : memref<200x128xf32, #tpu.memory_space<vmem>> -> memref<200x128xf32, #tpu.memory_space<vmem>>
      %dma_start3A_34 = arith.constant 0 : i32
      %dma_start3A_35 = tpu.memref_slice %arg8[%add3A_8, %dma_start3A_34] : memref<10000x128xf32, #tpu.memory_space<vmem_shared>> -> memref<200x128xf32, #tpu.memory_space<vmem_shared>>
      %dma_start3A_36 = arith.constant 0 : i32
      %dma_start3A_37 = tpu.memref_slice %arg8[%add3A_8, %dma_start3A_36] : memref<10000x128xf32, #tpu.memory_space<vmem_shared>> -> memref<200x128xf32, #tpu.memory_space<vmem_shared>>
      %dma_start3A_38 = arith.constant 0 : i32
      %dma_start3A_39 = arith.constant 0 : i32
      %dma_start3A_40 = tpu.memref_slice %arg7[%dma_start3A_38, %dma_start3A_39] : memref<200x128xf32, #tpu.memory_space<vmem>> -> memref<200x128xf32, #tpu.memory_space<vmem>>
      tpu.enqueue_dma source(%dma_start3A_40 : memref<200x128xf32, #tpu.memory_space<vmem>>) target(%dma_start3A_37 : memref<200x128xf32, #tpu.memory_space<vmem_shared>>) target_semaphore(%run_scoped3A : memref<!tpu.dma_semaphore, #tpu.memory_space<semaphore_mem>>)
      %dma_wait3A = arith.constant 0 : i32
      %dma_wait3A_41 = arith.constant 0 : i32
      %dma_wait3A_42 = tpu.memref_slice %arg7[%dma_wait3A, %dma_wait3A_41] : memref<200x128xf32, #tpu.memory_space<vmem>> -> memref<200x128xf32, #tpu.memory_space<vmem>>
      %dma_wait3A_43 = arith.constant 0 : i32
      %dma_wait3A_44 = tpu.memref_slice %arg8[%add3A_8, %dma_wait3A_43] : memref<10000x128xf32, #tpu.memory_space<vmem_shared>> -> memref<200x128xf32, #tpu.memory_space<vmem_shared>>
      %dma_wait3A_45 = arith.constant 0 : i32
      %dma_wait3A_46 = tpu.memref_slice %arg8[%add3A_8, %dma_wait3A_45] : memref<10000x128xf32, #tpu.memory_space<vmem_shared>> -> memref<200x128xf32, #tpu.memory_space<vmem_shared>>
      %dma_wait3A_47 = arith.constant 0 : i32
      %dma_wait3A_48 = arith.constant 0 : i32
      %dma_wait3A_49 = tpu.memref_slice %arg7[%dma_wait3A_47, %dma_wait3A_48] : memref<200x128xf32, #tpu.memory_space<vmem>> -> memref<200x128xf32, #tpu.memory_space<vmem>>
      tpu.wait_dma2 semaphore(%run_scoped3A : memref<!tpu.dma_semaphore, #tpu.memory_space<semaphore_mem>>) src(%dma_wait3A_49 : memref<200x128xf32, #tpu.memory_space<vmem>>) dst(%dma_wait3A_46 : memref<200x128xf32, #tpu.memory_space<vmem_shared>>)
      tpu.yield
    }) : () -> ()
    %add3A_9 = arith.constant 400 : i32
    %add3A_10 = arith.addi %mul3A_5, %add3A_9 : i32
    "tpu.region"() ({
      %run_scoped3A = tpu.sem_alloc : memref<!tpu.dma_semaphore, #tpu.memory_space<semaphore_mem>>
      %dma_start3A = arith.constant 0 : i32
      %dma_start3A_32 = arith.constant 0 : i32
      %dma_start3A_33 = tpu.memref_slice %arg7[%dma_start3A, %dma_start3A_32] : memref<200x128xf32, #tpu.memory_space<vmem>> -> memref<200x128xf32, #tpu.memory_space<vmem>>
      %dma_start3A_34 = arith.constant 0 : i32
      %dma_start3A_35 = tpu.memref_slice %arg8[%add3A_10, %dma_start3A_34] : memref<10000x128xf32, #tpu.memory_space<vmem_shared>> -> memref<200x128xf32, #tpu.memory_space<vmem_shared>>
      %dma_start3A_36 = arith.constant 0 : i32
      %dma_start3A_37 = tpu.memref_slice %arg8[%add3A_10, %dma_start3A_36] : memref<10000x128xf32, #tpu.memory_space<vmem_shared>> -> memref<200x128xf32, #tpu.memory_space<vmem_shared>>
      %dma_start3A_38 = arith.constant 0 : i32
      %dma_start3A_39 = arith.constant 0 : i32
      %dma_start3A_40 = tpu.memref_slice %arg7[%dma_start3A_38, %dma_start3A_39] : memref<200x128xf32, #tpu.memory_space<vmem>> -> memref<200x128xf32, #tpu.memory_space<vmem>>
      tpu.enqueue_dma source(%dma_start3A_40 : memref<200x128xf32, #tpu.memory_space<vmem>>) target(%dma_start3A_37 : memref<200x128xf32, #tpu.memory_space<vmem_shared>>) target_semaphore(%run_scoped3A : memref<!tpu.dma_semaphore, #tpu.memory_space<semaphore_mem>>)
      %dma_wait3A = arith.constant 0 : i32
      %dma_wait3A_41 = arith.constant 0 : i32
      %dma_wait3A_42 = tpu.memref_slice %arg7[%dma_wait3A, %dma_wait3A_41] : memref<200x128xf32, #tpu.memory_space<vmem>> -> memref<200x128xf32, #tpu.memory_space<vmem>>
      %dma_wait3A_43 = arith.constant 0 : i32
      %dma_wait3A_44 = tpu.memref_slice %arg8[%add3A_10, %dma_wait3A_43] : memref<10000x128xf32, #tpu.memory_space<vmem_shared>> -> memref<200x128xf32, #tpu.memory_space<vmem_shared>>
      %dma_wait3A_45 = arith.constant 0 : i32
      %dma_wait3A_46 = tpu.memref_slice %arg8[%add3A_10, %dma_wait3A_45] : memref<10000x128xf32, #tpu.memory_space<vmem_shared>> -> memref<200x128xf32, #tpu.memory_space<vmem_shared>>
      %dma_wait3A_47 = arith.constant 0 : i32
      %dma_wait3A_48 = arith.constant 0 : i32
      %dma_wait3A_49 = tpu.memref_slice %arg7[%dma_wait3A_47, %dma_wait3A_48] : memref<200x128xf32, #tpu.memory_space<vmem>> -> memref<200x128xf32, #tpu.memory_space<vmem>>
      tpu.wait_dma2 semaphore(%run_scoped3A : memref<!tpu.dma_semaphore, #tpu.memory_space<semaphore_mem>>) src(%dma_wait3A_49 : memref<200x128xf32, #tpu.memory_space<vmem>>) dst(%dma_wait3A_46 : memref<200x128xf32, #tpu.memory_space<vmem_shared>>)
      tpu.yield
    }) : () -> ()
    %add3A_11 = arith.constant 600 : i32
    %add3A_12 = arith.addi %mul3A_5, %add3A_11 : i32
    "tpu.region"() ({
      %run_scoped3A = tpu.sem_alloc : memref<!tpu.dma_semaphore, #tpu.memory_space<semaphore_mem>>
      %dma_start3A = arith.constant 0 : i32
      %dma_start3A_32 = arith.constant 0 : i32
      %dma_start3A_33 = tpu.memref_slice %arg7[%dma_start3A, %dma_start3A_32] : memref<200x128xf32, #tpu.memory_space<vmem>> -> memref<24x128xf32, #tpu.memory_space<vmem>>
      %dma_start3A_34 = arith.constant 0 : i32
      %dma_start3A_35 = tpu.memref_slice %arg8[%add3A_12, %dma_start3A_34] : memref<10000x128xf32, #tpu.memory_space<vmem_shared>> -> memref<24x128xf32, #tpu.memory_space<vmem_shared>>
      %dma_start3A_36 = arith.constant 0 : i32
      %dma_start3A_37 = tpu.memref_slice %arg8[%add3A_12, %dma_start3A_36] : memref<10000x128xf32, #tpu.memory_space<vmem_shared>> -> memref<24x128xf32, #tpu.memory_space<vmem_shared>>
      %dma_start3A_38 = arith.constant 0 : i32
      %dma_start3A_39 = arith.constant 0 : i32
      %dma_start3A_40 = tpu.memref_slice %arg7[%dma_start3A_38, %dma_start3A_39] : memref<200x128xf32, #tpu.memory_space<vmem>> -> memref<24x128xf32, #tpu.memory_space<vmem>>
      tpu.enqueue_dma source(%dma_start3A_40 : memref<24x128xf32, #tpu.memory_space<vmem>>) target(%dma_start3A_37 : memref<24x128xf32, #tpu.memory_space<vmem_shared>>) target_semaphore(%run_scoped3A : memref<!tpu.dma_semaphore, #tpu.memory_space<semaphore_mem>>)
      %dma_wait3A = arith.constant 0 : i32
      %dma_wait3A_41 = arith.constant 0 : i32
      %dma_wait3A_42 = tpu.memref_slice %arg7[%dma_wait3A, %dma_wait3A_41] : memref<200x128xf32, #tpu.memory_space<vmem>> -> memref<24x128xf32, #tpu.memory_space<vmem>>
      %dma_wait3A_43 = arith.constant 0 : i32
      %dma_wait3A_44 = tpu.memref_slice %arg8[%add3A_12, %dma_wait3A_43] : memref<10000x128xf32, #tpu.memory_space<vmem_shared>> -> memref<24x128xf32, #tpu.memory_space<vmem_shared>>
      %dma_wait3A_45 = arith.constant 0 : i32
      %dma_wait3A_46 = tpu.memref_slice %arg8[%add3A_12, %dma_wait3A_45] : memref<10000x128xf32, #tpu.memory_space<vmem_shared>> -> memref<24x128xf32, #tpu.memory_space<vmem_shared>>
      %dma_wait3A_47 = arith.constant 0 : i32
      %dma_wait3A_48 = arith.constant 0 : i32
      %dma_wait3A_49 = tpu.memref_slice %arg7[%dma_wait3A_47, %dma_wait3A_48] : memref<200x128xf32, #tpu.memory_space<vmem>> -> memref<24x128xf32, #tpu.memory_space<vmem>>
      tpu.wait_dma2 semaphore(%run_scoped3A : memref<!tpu.dma_semaphore, #tpu.memory_space<semaphore_mem>>) src(%dma_wait3A_49 : memref<24x128xf32, #tpu.memory_space<vmem>>) dst(%dma_wait3A_46 : memref<24x128xf32, #tpu.memory_space<vmem_shared>>)
      tpu.yield
    }) : () -> ()
    %eq3A = arith.constant 15 : i32
    %eq3A_13 = arith.cmpi eq, %arg1, %eq3A : i32
    %convert_element_type3A = arith.extui %eq3A_13 : i1 to i32
    %cond3A = arith.constant 0 : i32
    %cond3A_14 = arith.cmpi ne, %convert_element_type3A, %cond3A : i32
    scf.if %cond3A_14 {
      "tpu.region"() ({
        %run_scoped3A = tpu.sem_alloc : memref<!tpu.dma_semaphore, #tpu.memory_space<semaphore_mem>>
        %dma_start3A = arith.constant 0 : i32
        %dma_start3A_32 = arith.constant 0 : i32
        %dma_start3A_33 = tpu.memref_slice %arg7[%dma_start3A, %dma_start3A_32] : memref<200x128xf32, #tpu.memory_space<vmem>> -> memref<16x128xf32, #tpu.memory_space<vmem>>
        %dma_start3A_34 = arith.constant 9984 : i32
        %dma_start3A_35 = arith.constant 0 : i32
        %dma_start3A_36 = tpu.memref_slice %arg8[%dma_start3A_34, %dma_start3A_35] : memref<10000x128xf32, #tpu.memory_space<vmem_shared>> -> memref<16x128xf32, #tpu.memory_space<vmem_shared>>
        %dma_start3A_37 = arith.constant 9984 : i32
        %dma_start3A_38 = arith.constant 0 : i32
        %dma_start3A_39 = tpu.memref_slice %arg8[%dma_start3A_37, %dma_start3A_38] : memref<10000x128xf32, #tpu.memory_space<vmem_shared>> -> memref<16x128xf32, #tpu.memory_space<vmem_shared>>
        %dma_start3A_40 = arith.constant 0 : i32
        %dma_start3A_41 = arith.constant 0 : i32
        %dma_start3A_42 = tpu.memref_slice %arg7[%dma_start3A_40, %dma_start3A_41] : memref<200x128xf32, #tpu.memory_space<vmem>> -> memref<16x128xf32, #tpu.memory_space<vmem>>
        tpu.enqueue_dma source(%dma_start3A_42 : memref<16x128xf32, #tpu.memory_space<vmem>>) target(%dma_start3A_39 : memref<16x128xf32, #tpu.memory_space<vmem_shared>>) target_semaphore(%run_scoped3A : memref<!tpu.dma_semaphore, #tpu.memory_space<semaphore_mem>>)
        %dma_wait3A = arith.constant 0 : i32
        %dma_wait3A_43 = arith.constant 0 : i32
        %dma_wait3A_44 = tpu.memref_slice %arg7[%dma_wait3A, %dma_wait3A_43] : memref<200x128xf32, #tpu.memory_space<vmem>> -> memref<16x128xf32, #tpu.memory_space<vmem>>
        %dma_wait3A_45 = arith.constant 9984 : i32
        %dma_wait3A_46 = arith.constant 0 : i32
        %dma_wait3A_47 = tpu.memref_slice %arg8[%dma_wait3A_45, %dma_wait3A_46] : memref<10000x128xf32, #tpu.memory_space<vmem_shared>> -> memref<16x128xf32, #tpu.memory_space<vmem_shared>>
        %dma_wait3A_48 = arith.constant 9984 : i32
        %dma_wait3A_49 = arith.constant 0 : i32
        %dma_wait3A_50 = tpu.memref_slice %arg8[%dma_wait3A_48, %dma_wait3A_49] : memref<10000x128xf32, #tpu.memory_space<vmem_shared>> -> memref<16x128xf32, #tpu.memory_space<vmem_shared>>
        %dma_wait3A_51 = arith.constant 0 : i32
        %dma_wait3A_52 = arith.constant 0 : i32
        %dma_wait3A_53 = tpu.memref_slice %arg7[%dma_wait3A_51, %dma_wait3A_52] : memref<200x128xf32, #tpu.memory_space<vmem>> -> memref<16x128xf32, #tpu.memory_space<vmem>>
        tpu.wait_dma2 semaphore(%run_scoped3A : memref<!tpu.dma_semaphore, #tpu.memory_space<semaphore_mem>>) src(%dma_wait3A_53 : memref<16x128xf32, #tpu.memory_space<vmem>>) dst(%dma_wait3A_50 : memref<16x128xf32, #tpu.memory_space<vmem_shared>>)
        tpu.yield
      }) : () -> ()
    } else {
    }
    %barrier3A = arith.constant 0 : index
    tpu.barrier barrier_id(%barrier3A)
    %mul3A_15 = arith.constant 16 : i32
    %mul3A_16 = arith.muli %arg0, %mul3A_15 : i32
    %add3A_17 = arith.addi %mul3A_16, %arg1 : i32
    %mul3A_18 = arith.constant 10000 : i32
    %mul3A_19 = arith.muli %add3A_17, %mul3A_18 : i32
    %scan3A_20 = arith.constant 0 : i32
    %scan3A_21 = arith.constant 0 : i32
    %scan3A_22 = arith.constant 50 : i32
    %scan3A_23 = arith.addi %scan3A_21, %scan3A_22 : i32
    %scan3A_24 = arith.constant 1 : i32
    scf.for %scan3A_32 = %scan3A_21 to %scan3A_23 step %scan3A_24  : i32 {
      %mul3A_33 = arith.constant 200 : i32
      %mul3A_34 = arith.muli %scan3A_32, %mul3A_33 : i32
      %add3A_35 = arith.addi %mul3A_19, %mul3A_34 : i32
      "tpu.region"() ({
        %run_scoped3A = tpu.sem_alloc : memref<!tpu.dma_semaphore, #tpu.memory_space<semaphore_mem>>
        %dma_start3A_42 = tpu.memref_slice %arg3[%add3A_35] : memref<640000xi32, #tpu.memory_space<hbm>> -> memref<200xi32, #tpu.memory_space<hbm>>
        %dma_start3A_43 = tpu.memref_slice %arg3[%add3A_35] : memref<640000xi32, #tpu.memory_space<hbm>> -> memref<200xi32, #tpu.memory_space<hbm>>
        tpu.enqueue_dma source(%dma_start3A_43 : memref<200xi32, #tpu.memory_space<hbm>>) target(%arg5 : memref<200xi32, #tpu.memory_space<vmem>>) target_semaphore(%run_scoped3A : memref<!tpu.dma_semaphore, #tpu.memory_space<semaphore_mem>>)
        %dma_wait3A_44 = tpu.memref_slice %arg3[%add3A_35] : memref<640000xi32, #tpu.memory_space<hbm>> -> memref<200xi32, #tpu.memory_space<hbm>>
        %dma_wait3A_45 = tpu.memref_slice %arg3[%add3A_35] : memref<640000xi32, #tpu.memory_space<hbm>> -> memref<200xi32, #tpu.memory_space<hbm>>
        tpu.wait_dma2 semaphore(%run_scoped3A : memref<!tpu.dma_semaphore, #tpu.memory_space<semaphore_mem>>) src(%dma_wait3A_45 : memref<200xi32, #tpu.memory_space<hbm>>) dst(%arg5 : memref<200xi32, #tpu.memory_space<vmem>>)
        tpu.yield
      }) : () -> ()
      %add3A_36 = arith.constant 320000 : i32
      %add3A_37 = arith.addi %add3A_36, %add3A_35 : i32
      "tpu.region"() ({
        %run_scoped3A = tpu.sem_alloc : memref<!tpu.dma_semaphore, #tpu.memory_space<semaphore_mem>>
        %dma_start3A_42 = tpu.memref_slice %arg3[%add3A_37] : memref<640000xi32, #tpu.memory_space<hbm>> -> memref<200xi32, #tpu.memory_space<hbm>>
        %dma_start3A_43 = tpu.memref_slice %arg3[%add3A_37] : memref<640000xi32, #tpu.memory_space<hbm>> -> memref<200xi32, #tpu.memory_space<hbm>>
        tpu.enqueue_dma source(%dma_start3A_43 : memref<200xi32, #tpu.memory_space<hbm>>) target(%arg6 : memref<200xi32, #tpu.memory_space<vmem>>) target_semaphore(%run_scoped3A : memref<!tpu.dma_semaphore, #tpu.memory_space<semaphore_mem>>)
        %dma_wait3A_44 = tpu.memref_slice %arg3[%add3A_37] : memref<640000xi32, #tpu.memory_space<hbm>> -> memref<200xi32, #tpu.memory_space<hbm>>
        %dma_wait3A_45 = tpu.memref_slice %arg3[%add3A_37] : memref<640000xi32, #tpu.memory_space<hbm>> -> memref<200xi32, #tpu.memory_space<hbm>>
        tpu.wait_dma2 semaphore(%run_scoped3A : memref<!tpu.dma_semaphore, #tpu.memory_space<semaphore_mem>>) src(%dma_wait3A_45 : memref<200xi32, #tpu.memory_space<hbm>>) dst(%arg6 : memref<200xi32, #tpu.memory_space<vmem>>)
        tpu.yield
      }) : () -> ()
      %dma_start3A = arith.constant 0 : i32
      %dma_start3A_38 = arith.constant 0 : i32
      %dma_start3A_39 = tpu.memref_slice %arg2[%dma_start3A, %dma_start3A_38] : memref<10000x128xf32, #tpu.memory_space<hbm>> -> memref<10000x128xf32, #tpu.memory_space<hbm>>
      tpu.enqueue_indirect_dma source(%dma_start3A_39 : memref<10000x128xf32, #tpu.memory_space<hbm>>) target(%arg7 : memref<200x128xf32, #tpu.memory_space<vmem>>) offsets(%arg5 : memref<200xi32, #tpu.memory_space<vmem>>) semaphore(%arg9 : memref<!tpu.dma_semaphore, #tpu.memory_space<semaphore_mem>>)
      %dma_wait3A = arith.constant 0 : i32
      %dma_wait3A_40 = arith.constant 0 : i32
      %dma_wait3A_41 = tpu.memref_slice %arg2[%dma_wait3A, %dma_wait3A_40] : memref<10000x128xf32, #tpu.memory_space<hbm>> -> memref<10000x128xf32, #tpu.memory_space<hbm>>
      tpu.wait_indirect_dma semaphore(%arg9 : memref<!tpu.dma_semaphore, #tpu.memory_space<semaphore_mem>>) src(%dma_wait3A_41 : memref<10000x128xf32, #tpu.memory_space<hbm>>) dst(%arg7 : memref<200x128xf32, #tpu.memory_space<vmem>>)
      "tpu.region"() ({
        %run_scoped3A = tpu.sem_alloc : memref<!tpu.dma_semaphore, #tpu.memory_space<semaphore_mem>>
        %dma_start3A_42 = arith.constant 0 : i32
        %dma_start3A_43 = arith.constant 0 : i32
        %dma_start3A_44 = tpu.memref_slice %arg8[%dma_start3A_42, %dma_start3A_43] : memref<10000x128xf32, #tpu.memory_space<vmem_shared>> -> memref<10000x128xf32, #tpu.memory_space<vmem_shared>>
        tpu.enqueue_indirect_dma source(%arg7 : memref<200x128xf32, #tpu.memory_space<vmem>>) target(%dma_start3A_44 : memref<10000x128xf32, #tpu.memory_space<vmem_shared>>) offsets(%arg6 : memref<200xi32, #tpu.memory_space<vmem>>) semaphore(%run_scoped3A : memref<!tpu.dma_semaphore, #tpu.memory_space<semaphore_mem>>) {add = true}
        %dma_wait3A_45 = arith.constant 0 : i32
        %dma_wait3A_46 = arith.constant 0 : i32
        %dma_wait3A_47 = tpu.memref_slice %arg8[%dma_wait3A_45, %dma_wait3A_46] : memref<10000x128xf32, #tpu.memory_space<vmem_shared>> -> memref<10000x128xf32, #tpu.memory_space<vmem_shared>>
        tpu.wait_indirect_dma semaphore(%run_scoped3A : memref<!tpu.dma_semaphore, #tpu.memory_space<semaphore_mem>>) src(%arg7 : memref<200x128xf32, #tpu.memory_space<vmem>>) dst(%dma_wait3A_47 : memref<10000x128xf32, #tpu.memory_space<vmem_shared>>)
        tpu.yield
      }) : () -> ()
    }
    %scan3A_25 = arith.constant 50 : i32
    %barrier3A_26 = arith.constant 0 : index
    tpu.barrier barrier_id(%barrier3A_26)
    "tpu.region"() ({
      %run_scoped3A = tpu.sem_alloc : memref<!tpu.dma_semaphore, #tpu.memory_space<semaphore_mem>>
      %dma_start3A = arith.constant 0 : i32
      %dma_start3A_32 = tpu.memref_slice %arg4[%arg0, %mul3A_5, %dma_start3A] : memref<2x10000x128xf32, #tpu.memory_space<hbm>> -> memref<1x624x128xf32, #tpu.memory_space<hbm>>
      %dma_start3A_33 = tpu.memref_squeeze %dma_start3A_32 : memref<1x624x128xf32, #tpu.memory_space<hbm>> -> memref<624x128xf32, #tpu.memory_space<hbm>>
      %dma_start3A_34 = arith.constant 0 : i32
      %dma_start3A_35 = tpu.memref_slice %arg8[%mul3A_5, %dma_start3A_34] : memref<10000x128xf32, #tpu.memory_space<vmem_shared>> -> memref<624x128xf32, #tpu.memory_space<vmem_shared>>
      tpu.enqueue_dma source(%dma_start3A_35 : memref<624x128xf32, #tpu.memory_space<vmem_shared>>) target(%dma_start3A_33 : memref<624x128xf32, #tpu.memory_space<hbm>>) target_semaphore(%run_scoped3A : memref<!tpu.dma_semaphore, #tpu.memory_space<semaphore_mem>>)
      %dma_wait3A = arith.constant 0 : i32
      %dma_wait3A_36 = tpu.memref_slice %arg4[%arg0, %mul3A_5, %dma_wait3A] : memref<2x10000x128xf32, #tpu.memory_space<hbm>> -> memref<1x624x128xf32, #tpu.memory_space<hbm>>
      %dma_wait3A_37 = tpu.memref_squeeze %dma_wait3A_36 : memref<1x624x128xf32, #tpu.memory_space<hbm>> -> memref<624x128xf32, #tpu.memory_space<hbm>>
      %dma_wait3A_38 = arith.constant 0 : i32
      %dma_wait3A_39 = tpu.memref_slice %arg8[%mul3A_5, %dma_wait3A_38] : memref<10000x128xf32, #tpu.memory_space<vmem_shared>> -> memref<624x128xf32, #tpu.memory_space<vmem_shared>>
      tpu.wait_dma2 semaphore(%run_scoped3A : memref<!tpu.dma_semaphore, #tpu.memory_space<semaphore_mem>>) src(%dma_wait3A_39 : memref<624x128xf32, #tpu.memory_space<vmem_shared>>) dst(%dma_wait3A_37 : memref<624x128xf32, #tpu.memory_space<hbm>>)
      tpu.yield
    }) : () -> ()
    %eq3A_27 = arith.constant 15 : i32
    %eq3A_28 = arith.cmpi eq, %arg1, %eq3A_27 : i32
    %convert_element_type3A_29 = arith.extui %eq3A_28 : i1 to i32
    %cond3A_30 = arith.constant 0 : i32
    %cond3A_31 = arith.cmpi ne, %convert_element_type3A_29, %cond3A_30 : i32
    scf.if %cond3A_31 {
      "tpu.region"() ({
        %run_scoped3A = tpu.sem_alloc : memref<!tpu.dma_semaphore, #tpu.memory_space<semaphore_mem>>
        %dma_start3A = arith.constant 9984 : i32
        %dma_start3A_32 = arith.constant 0 : i32
        %dma_start3A_33 = tpu.memref_slice %arg4[%arg0, %dma_start3A, %dma_start3A_32] : memref<2x10000x128xf32, #tpu.memory_space<hbm>> -> memref<1x16x128xf32, #tpu.memory_space<hbm>>
        %dma_start3A_34 = tpu.memref_squeeze %dma_start3A_33 : memref<1x16x128xf32, #tpu.memory_space<hbm>> -> memref<16x128xf32, #tpu.memory_space<hbm>>
        %dma_start3A_35 = arith.constant 9984 : i32
        %dma_start3A_36 = arith.constant 0 : i32
        %dma_start3A_37 = tpu.memref_slice %arg8[%dma_start3A_35, %dma_start3A_36] : memref<10000x128xf32, #tpu.memory_space<vmem_shared>> -> memref<16x128xf32, #tpu.memory_space<vmem_shared>>
        tpu.enqueue_dma source(%dma_start3A_37 : memref<16x128xf32, #tpu.memory_space<vmem_shared>>) target(%dma_start3A_34 : memref<16x128xf32, #tpu.memory_space<hbm>>) target_semaphore(%run_scoped3A : memref<!tpu.dma_semaphore, #tpu.memory_space<semaphore_mem>>)
        %dma_wait3A = arith.constant 9984 : i32
        %dma_wait3A_38 = arith.constant 0 : i32
        %dma_wait3A_39 = tpu.memref_slice %arg4[%arg0, %dma_wait3A, %dma_wait3A_38] : memref<2x10000x128xf32, #tpu.memory_space<hbm>> -> memref<1x16x128xf32, #tpu.memory_space<hbm>>
        %dma_wait3A_40 = tpu.memref_squeeze %dma_wait3A_39 : memref<1x16x128xf32, #tpu.memory_space<hbm>> -> memref<16x128xf32, #tpu.memory_space<hbm>>
        %dma_wait3A_41 = arith.constant 9984 : i32
        %dma_wait3A_42 = arith.constant 0 : i32
        %dma_wait3A_43 = tpu.memref_slice %arg8[%dma_wait3A_41, %dma_wait3A_42] : memref<10000x128xf32, #tpu.memory_space<vmem_shared>> -> memref<16x128xf32, #tpu.memory_space<vmem_shared>>
        tpu.wait_dma2 semaphore(%run_scoped3A : memref<!tpu.dma_semaphore, #tpu.memory_space<semaphore_mem>>) src(%dma_wait3A_43 : memref<16x128xf32, #tpu.memory_space<vmem_shared>>) dst(%dma_wait3A_40 : memref<16x128xf32, #tpu.memory_space<hbm>>)
        tpu.yield
      }) : () -> ()
    } else {
    }
    return
  }
}

module attributes {stable_mosaic.version = 14 : i64} {
  func.func @_dense_body(%arg0: i32, %arg1: memref<2x2000x128xf32, #tpu.memory_space<vmem>>, %arg2: memref<2000x128xf32, #tpu.memory_space<vmem>>, %arg3: memref<128x128xf32, #tpu.memory_space<vmem>>, %arg4: memref<128x128xf32, #tpu.memory_space<vmem>>, %arg5: memref<128x128xf32, #tpu.memory_space<vmem>>, %arg6: memref<128x128xf32, #tpu.memory_space<vmem>>, %arg7: memref<128x128xf32, #tpu.memory_space<vmem>>, %arg8: memref<1x128xf32, #tpu.memory_space<vmem>>, %arg9: memref<1x128xf32, #tpu.memory_space<vmem>>, %arg10: memref<1x128xf32, #tpu.memory_space<vmem>>, %arg11: memref<1x128xf32, #tpu.memory_space<vmem>>, %arg12: memref<2000x128xf32, #tpu.memory_space<vmem>>) attributes {dimension_semantics = [#tpu.dimension_semantics<arbitrary>], iteration_bounds = array<i64: 5>, scalar_prefetch = 0 : i64, scratch_operands = 0 : i64, tpu.core_type = #tpu.core_type<tc>, window_params = [{transform_indices = @transform_0, window_bounds = array<i64: 2, 2000, 128>}, {transform_indices = @transform_1, window_bounds = array<i64: 2000, 128>}, {pipeline_mode = #tpu.pipeline_mode<synchronous>, transform_indices = @transform_2, window_bounds = array<i64: 128, 128>}, {pipeline_mode = #tpu.pipeline_mode<synchronous>, transform_indices = @transform_3, window_bounds = array<i64: 128, 128>}, {pipeline_mode = #tpu.pipeline_mode<synchronous>, transform_indices = @transform_4, window_bounds = array<i64: 128, 128>}, {pipeline_mode = #tpu.pipeline_mode<synchronous>, transform_indices = @transform_5, window_bounds = array<i64: 128, 128>}, {pipeline_mode = #tpu.pipeline_mode<synchronous>, transform_indices = @transform_6, window_bounds = array<i64: 128, 128>}, {pipeline_mode = #tpu.pipeline_mode<synchronous>, transform_indices = @transform_7, window_bounds = array<i64: 1, 128>}, {pipeline_mode = #tpu.pipeline_mode<synchronous>, transform_indices = @transform_8, window_bounds = array<i64: 1, 128>}, {pipeline_mode = #tpu.pipeline_mode<synchronous>, transform_indices = @transform_9, window_bounds = array<i64: 1, 128>}, {pipeline_mode = #tpu.pipeline_mode<synchronous>, transform_indices = @transform_10, window_bounds = array<i64: 1, 128>}, {transform_indices = @transform_11, window_bounds = array<i64: 2000, 128>}]} {
    %get3A = arith.constant 0 : index
    %get3A_0 = arith.constant 0 : index
    %get3A_1 = arith.constant 0 : index
    %get3A_2 = vector.load %arg1[%get3A, %get3A_0, %get3A_1] : memref<2x2000x128xf32, #tpu.memory_space<vmem>>, vector<1x2000x128xf32>
    %get3A_3 = vector.shape_cast %get3A_2 : vector<1x2000x128xf32> to vector<2000x128xf32>
    %get3A_4 = arith.constant 1 : index
    %get3A_5 = arith.constant 0 : index
    %get3A_6 = arith.constant 0 : index
    %get3A_7 = vector.load %arg1[%get3A_4, %get3A_5, %get3A_6] : memref<2x2000x128xf32, #tpu.memory_space<vmem>>, vector<1x2000x128xf32>
    %get3A_8 = vector.shape_cast %get3A_7 : vector<1x2000x128xf32> to vector<2000x128xf32>
    %add3A = arith.addf %get3A_3, %get3A_8 : vector<2000x128xf32>
    %get3A_9 = arith.constant 0 : index
    %get3A_10 = arith.constant 0 : index
    %get3A_11 = vector.load %arg3[%get3A_9, %get3A_10] : memref<128x128xf32, #tpu.memory_space<vmem>>, vector<128x128xf32>
    %dot_general3A = arith.constant dense<0.000000e+00> : vector<2000x128xf32>
    %dot_general3A_12 = tpu.matmul %add3A, %get3A_11, %dot_general3A {dimension_numbers = #tpu.dot_dimension_numbers<[1], [0], [0], [1], [0, 0, 1, 1], [], []>, transpose_lhs_hint = false} : vector<2000x128xf32>, vector<128x128xf32>, vector<2000x128xf32> -> vector<2000x128xf32>
    %get3A_13 = arith.constant 0 : index
    %get3A_14 = arith.constant 0 : index
    %get3A_15 = vector.load %arg2[%get3A_13, %get3A_14] : memref<2000x128xf32, #tpu.memory_space<vmem>>, vector<2000x128xf32>
    %get3A_16 = arith.constant 0 : index
    %get3A_17 = arith.constant 0 : index
    %get3A_18 = vector.load %arg4[%get3A_16, %get3A_17] : memref<128x128xf32, #tpu.memory_space<vmem>>, vector<128x128xf32>
    %dot_general3A_19 = arith.constant dense<0.000000e+00> : vector<2000x128xf32>
    %dot_general3A_20 = tpu.matmul %get3A_15, %get3A_18, %dot_general3A_19 {dimension_numbers = #tpu.dot_dimension_numbers<[1], [0], [0], [1], [0, 0, 1, 1], [], []>, transpose_lhs_hint = false} : vector<2000x128xf32>, vector<128x128xf32>, vector<2000x128xf32> -> vector<2000x128xf32>
    %add3A_21 = arith.addf %dot_general3A_12, %dot_general3A_20 : vector<2000x128xf32>
    %get3A_22 = arith.constant 0 : index
    %get3A_23 = arith.constant 0 : index
    %get3A_24 = vector.load %arg8[%get3A_22, %get3A_23] : memref<1x128xf32, #tpu.memory_space<vmem>>, vector<1x128xf32>
    %add3A_25 = vector.broadcast %get3A_24 : vector<1x128xf32> to vector<2000x128xf32>
    %add3A_26 = arith.addf %add3A_21, %add3A_25 : vector<2000x128xf32>
    %max3A = arith.constant 0.000000e+00 : f32
    %max3A_27 = vector.broadcast %max3A : f32 to vector<2000x128xf32>
    %max3A_28 = arith.maximumf %add3A_26, %max3A_27 : vector<2000x128xf32>
    %get3A_29 = arith.constant 0 : index
    %get3A_30 = arith.constant 0 : index
    %get3A_31 = vector.load %arg5[%get3A_29, %get3A_30] : memref<128x128xf32, #tpu.memory_space<vmem>>, vector<128x128xf32>
    %dot_general3A_32 = arith.constant dense<0.000000e+00> : vector<2000x128xf32>
    %dot_general3A_33 = tpu.matmul %max3A_28, %get3A_31, %dot_general3A_32 {dimension_numbers = #tpu.dot_dimension_numbers<[1], [0], [0], [1], [0, 0, 1, 1], [], []>, transpose_lhs_hint = false} : vector<2000x128xf32>, vector<128x128xf32>, vector<2000x128xf32> -> vector<2000x128xf32>
    %get3A_34 = arith.constant 0 : index
    %get3A_35 = arith.constant 0 : index
    %get3A_36 = vector.load %arg9[%get3A_34, %get3A_35] : memref<1x128xf32, #tpu.memory_space<vmem>>, vector<1x128xf32>
    %add3A_37 = vector.broadcast %get3A_36 : vector<1x128xf32> to vector<2000x128xf32>
    %add3A_38 = arith.addf %dot_general3A_33, %add3A_37 : vector<2000x128xf32>
    %max3A_39 = arith.constant 0.000000e+00 : f32
    %max3A_40 = vector.broadcast %max3A_39 : f32 to vector<2000x128xf32>
    %max3A_41 = arith.maximumf %add3A_38, %max3A_40 : vector<2000x128xf32>
    %get3A_42 = arith.constant 0 : index
    %get3A_43 = arith.constant 0 : index
    %get3A_44 = vector.load %arg6[%get3A_42, %get3A_43] : memref<128x128xf32, #tpu.memory_space<vmem>>, vector<128x128xf32>
    %dot_general3A_45 = arith.constant dense<0.000000e+00> : vector<2000x128xf32>
    %dot_general3A_46 = tpu.matmul %max3A_41, %get3A_44, %dot_general3A_45 {dimension_numbers = #tpu.dot_dimension_numbers<[1], [0], [0], [1], [0, 0, 1, 1], [], []>, transpose_lhs_hint = false} : vector<2000x128xf32>, vector<128x128xf32>, vector<2000x128xf32> -> vector<2000x128xf32>
    %get3A_47 = arith.constant 0 : index
    %get3A_48 = arith.constant 0 : index
    %get3A_49 = vector.load %arg10[%get3A_47, %get3A_48] : memref<1x128xf32, #tpu.memory_space<vmem>>, vector<1x128xf32>
    %add3A_50 = vector.broadcast %get3A_49 : vector<1x128xf32> to vector<2000x128xf32>
    %add3A_51 = arith.addf %dot_general3A_46, %add3A_50 : vector<2000x128xf32>
    %max3A_52 = arith.constant 0.000000e+00 : f32
    %max3A_53 = vector.broadcast %max3A_52 : f32 to vector<2000x128xf32>
    %max3A_54 = arith.maximumf %add3A_51, %max3A_53 : vector<2000x128xf32>
    %get3A_55 = arith.constant 0 : index
    %get3A_56 = arith.constant 0 : index
    %get3A_57 = vector.load %arg7[%get3A_55, %get3A_56] : memref<128x128xf32, #tpu.memory_space<vmem>>, vector<128x128xf32>
    %dot_general3A_58 = arith.constant dense<0.000000e+00> : vector<2000x128xf32>
    %dot_general3A_59 = tpu.matmul %max3A_54, %get3A_57, %dot_general3A_58 {dimension_numbers = #tpu.dot_dimension_numbers<[1], [0], [0], [1], [0, 0, 1, 1], [], []>, transpose_lhs_hint = false} : vector<2000x128xf32>, vector<128x128xf32>, vector<2000x128xf32> -> vector<2000x128xf32>
    %get3A_60 = arith.constant 0 : index
    %get3A_61 = arith.constant 0 : index
    %get3A_62 = vector.load %arg11[%get3A_60, %get3A_61] : memref<1x128xf32, #tpu.memory_space<vmem>>, vector<1x128xf32>
    %add3A_63 = vector.broadcast %get3A_62 : vector<1x128xf32> to vector<2000x128xf32>
    %add3A_64 = arith.addf %dot_general3A_59, %add3A_63 : vector<2000x128xf32>
    %swap3A = arith.constant 0 : index
    %swap3A_65 = arith.constant 0 : index
    %swap3A_66 = vector.load %arg12[%swap3A, %swap3A_65] : memref<2000x128xf32, #tpu.memory_space<vmem>>, vector<2000x128xf32>
    tpu.vector_store %arg12[%swap3A, %swap3A_65], %add3A_64 {strides = array<i32>} : memref<2000x128xf32, #tpu.memory_space<vmem>>, vector<2000x128xf32>,
    return
  }
  func.func @transform_0(%arg0: i32) -> (i32, i32, i32) {
    %c0_i32 = arith.constant 0 : i32
    %c0_i32_0 = arith.constant 0 : i32
    %c0_i32_1 = arith.constant 0 : i32
    return %c0_i32, %arg0, %c0_i32_0 : i32, i32, i32
  }
  func.func @transform_1(%arg0: i32) -> (i32, i32) {
    %c0_i32 = arith.constant 0 : i32
    %c0_i32_0 = arith.constant 0 : i32
    return %arg0, %c0_i32 : i32, i32
  }
  func.func @transform_2(%arg0: i32) -> (i32, i32) {
    %c0_i32 = arith.constant 0 : i32
    %c0_i32_0 = arith.constant 0 : i32
    %c0_i32_1 = arith.constant 0 : i32
    return %c0_i32, %c0_i32_0 : i32, i32
  }
  func.func @transform_3(%arg0: i32) -> (i32, i32) {
    %c0_i32 = arith.constant 0 : i32
    %c0_i32_0 = arith.constant 0 : i32
    %c0_i32_1 = arith.constant 0 : i32
    return %c0_i32, %c0_i32_0 : i32, i32
  }
  func.func @transform_4(%arg0: i32) -> (i32, i32) {
    %c0_i32 = arith.constant 0 : i32
    %c0_i32_0 = arith.constant 0 : i32
    %c0_i32_1 = arith.constant 0 : i32
    return %c0_i32, %c0_i32_0 : i32, i32
  }
  func.func @transform_5(%arg0: i32) -> (i32, i32) {
    %c0_i32 = arith.constant 0 : i32
    %c0_i32_0 = arith.constant 0 : i32
    %c0_i32_1 = arith.constant 0 : i32
    return %c0_i32, %c0_i32_0 : i32, i32
  }
  func.func @transform_6(%arg0: i32) -> (i32, i32) {
    %c0_i32 = arith.constant 0 : i32
    %c0_i32_0 = arith.constant 0 : i32
    %c0_i32_1 = arith.constant 0 : i32
    return %c0_i32, %c0_i32_0 : i32, i32
  }
  func.func @transform_7(%arg0: i32) -> (i32, i32) {
    %c0_i32 = arith.constant 0 : i32
    %c0_i32_0 = arith.constant 0 : i32
    %c0_i32_1 = arith.constant 0 : i32
    return %c0_i32, %c0_i32_0 : i32, i32
  }
  func.func @transform_8(%arg0: i32) -> (i32, i32) {
    %c0_i32 = arith.constant 0 : i32
    %c0_i32_0 = arith.constant 0 : i32
    %c0_i32_1 = arith.constant 0 : i32
    return %c0_i32, %c0_i32_0 : i32, i32
  }
  func.func @transform_9(%arg0: i32) -> (i32, i32) {
    %c0_i32 = arith.constant 0 : i32
    %c0_i32_0 = arith.constant 0 : i32
    %c0_i32_1 = arith.constant 0 : i32
    return %c0_i32, %c0_i32_0 : i32, i32
  }
  func.func @transform_10(%arg0: i32) -> (i32, i32) {
    %c0_i32 = arith.constant 0 : i32
    %c0_i32_0 = arith.constant 0 : i32
    %c0_i32_1 = arith.constant 0 : i32
    return %c0_i32, %c0_i32_0 : i32, i32
  }
  func.func @transform_11(%arg0: i32) -> (i32, i32) {
    %c0_i32 = arith.constant 0 : i32
    %c0_i32_0 = arith.constant 0 : i32
    return %arg0, %c0_i32 : i32, i32
  }
}

</mosaic_0001>

<sc_bundles>
// kernel: kernel.4.cloned.1.call-start
scs
__scs_entry_jumppad:
0x0: {  	(pc) =	sbr.rel $0x88, $3  }
0x1: {  	(tag) =	ssettag $0x0;
	lr =	simm.s32 $0x1  }
0x2: {  	[smem:$0x3F94] =	sst lr;
	_ =	strace $0xD0000000  }
0x3: {  	_ = 	snop  }
0x4: {  	_ = 	snop  }
0x5: {  	_ = 	snop  }
0x6: {  	_ = 	snop  }
0x7: {  	_ = 	snop  }
__scs_overlays_trampoline_lowered:
0x8: {  	[smem:$0x3FA3] =	sst s0  }
0x9: {  	[smem:$0x3FA4] =	sst s1  }
0xa: {  	[smem:$0x3FA5] =	sst s2  }
0xb: {  	[smem:$0x3FA6] =	sst s3  }
0xc: {  	[smem:$0x3FA7] =	sst s4  }
0xd: {  	[smem:$0x3FA8] =	sst s5  }
0xe: {  	[smem:$0x3FA9] =	sst s6  }
0xf: {  	[smem:$0x3FAA] =	sst s7  }
0x10: {  	[smem:$0x3FAB] =	sst s8  }
0x11: {  	[smem:$0x3FAC] =	sst s9;
	s0 =	simm.s32 @!p0 $0x0  }
0x12: {  	s1 =	sld [smem:$0x3F92];
	s0 =	simm.s32 @p0 $0x1  }
0x13: {  	[smem:$0x3FAD] =	sst s0;
	s0 =	simm.s32 @!p1 $0x0  }
0x14: {  	s2 =	sld [smem:$0x3F91];
	s0 =	simm.s32 @p1 $0x1  }
0x15: {  	[smem:$0x3FAE] =	sst s0;
	s0 =	simm.s32 @!p2 $0x0  }
0x16: {  	s3 =	sld [smem:$0x3FDB];
	s0 =	simm.s32 @p2 $0x1  }
0x17: {  	s4 =	simm.s32 $0x1BF5;
	[smem:$0x3FB0] =	sst s0  }
0x18: {  	s0 =	sld [smem:$0x3F93];
	_ =	swait.ge [sflag:s4], $0x0  }
0x19: {  	s7 =	sld [smem:$0x3F94]  }
0x1a: {  	s8 =	sadd.s32 $0xFFFFE003, lr  }
0x1b: {  	s9 =	sadd.s32 $0xFFFFFEF7, lr;
	s5 =	simm.s32 $0xFFFFFFFF;
	p2 =	slt.u32 s8, $0xFFFFF086  }
0x1c: {  	p1 =	slt.u32 s9, $0xF7A;
	s5 =	simm.s32 @!p2 $0x0  }
0x1d: {  	s5 =	simm.s32 @p1 $0x1;
	p0 =	seq.s32 s7, s2  }
0x1e: {  	s7 =	smul.u32 @!p0 $0xF7A, s2;
	p2 =	seq.s32 @!p0 s5, $0x0  }
0x1f: {  	s9 =	smul.u32 $0xF7A, s1;
	s8 =	simm.s32 @!p0 $0x1BF5;
	p2 =	por !p2, p0  }
0x20: {  	[sflag:s8] =	ssyncset.s32 @!p0 $0xFFFFF086;
	s6 =	sadd.s32 @!p0 s3, s7;
	s7 =	simm.s32 @!p0 $0x108  }
0x21: {  	s3 =	sadd.s32 s3, s9;
	s6 =	sadd.s32 @!p0 $0x88, s6;
	s7 =	simm.s32 @p2 $0x1082  }
0x22: {  	[simem:s7], [sflag:s8] =	dma.local @!p0 [hbm:s6], $0xF7A  }
0x23: {  	s9 =	sor.u32 $0xD0000000, s2;
	s6 =	simm.s32 $0x108;
	_ =	swait.ge @!p0 [sflag:s8], $0x0  }
0x24: {  	s3 =	sadd.s32 $0x88, s3;
	s6 =	simm.s32 @!p1 $0x1082;
	[sflag:s4] =	ssyncset.s32 $0xFFFFF086  }
0x25: {  	[simem:s6], [sflag:s4] =	dma.local [hbm:s3], $0xF7A  }
0x26: {  	[smem:$0x3F94] =	sst s1;
	(tag) =	ssettag s2;
	_ =	strace s9  }
0x27: {  	s1 =	sld [smem:$0x3FA4]  }
0x28: {  	s2 =	sld [smem:$0x3FA5]  }
0x29: {  	s4 =	sld [smem:$0x3FA7]  }
0x2a: {  	p0 =	seq.s32 s5, $0x0;
	s5 =	sld [smem:$0x3FA8]  }
0x2b: {  	s6 =	sld [smem:$0x3FA9]  }
0x2c: {  	s7 =	sld [smem:$0x3FAA]  }
0x2d: {  	s3 =	simm.s32 $0x108;
	s8 =	sld [smem:$0x3FAB]  }
0x2e: {  	s3 =	simm.s32 @!p0 $0x1082;
	s9 =	sld [smem:$0x3FAC]  }
0x2f: {  	lr =	sadd.s32 s0, s3;
	s0 =	sld [smem:$0x3FA3]  }
0x30: {  	s3 =	sld [smem:$0x3FA6]  }
0x31: {  	[smem:$0x3FAF] =	sst s10  }
0x32: {  	s10 =	sld [smem:$0x3FAD];
	_ =	sdelay $0x3  }
0x33: {  	p0 =	seq.s32 s10, $0x1;
	s10 =	sld [smem:$0x3FAF];
	_ =	sdelay $0x3  }
0x34: {  	[smem:$0x3FAF] =	sst s10  }
0x35: {  	s10 =	sld [smem:$0x3FAE];
	_ =	sdelay $0x3  }
0x36: {  	p1 =	seq.s32 s10, $0x1;
	s10 =	sld [smem:$0x3FAF];
	_ =	sdelay $0x3  }
0x37: {  	[smem:$0x3FAF] =	sst s10  }
0x38: {  	s10 =	sld [smem:$0x3FB0]  }
0x39: {  	_ = 	snop;
	(pc) =	sbr.ind lr, $3  }
0x3a: {  	_ = 	snop  }
0x3b: {  	_ = 	snop  }
0x3c: {  	p2 =	seq.s32 s10, $0x1;
	s10 =	sld [smem:$0x3FAF]  }
0x3d: {  	_ =	shalt  }
0x3e: {  	_ =	shalt  }
0x3f: {  	_ =	shalt  }
0x40: {  	_ =	shalt  }
0x41: {  	_ =	shalt  }
0x42: {  	_ =	shalt  }
0x43: {  	_ =	shalt  }
0x44: {  	_ =	shalt  }
0x45: {  	_ =	shalt  }
0x46: {  	_ =	shalt  }
0x47: {  	_ =	shalt  }
0x48: {  	_ =	shalt  }
0x49: {  	_ =	shalt  }
0x4a: {  	_ =	shalt  }
0x4b: {  	_ =	shalt  }
0x4c: {  	_ =	shalt  }
0x4d: {  	_ =	shalt  }
0x4e: {  	_ =	shalt  }
0x4f: {  	_ =	shalt  }
0x50: {  	_ =	shalt  }
0x51: {  	_ =	shalt  }
0x52: {  	_ =	shalt  }
0x53: {  	_ =	shalt  }
0x54: {  	_ =	shalt  }
0x55: {  	_ =	shalt  }
0x56: {  	_ =	shalt  }
0x57: {  	_ =	shalt  }
0x58: {  	_ =	shalt  }
0x59: {  	_ =	shalt  }
0x5a: {  	_ =	shalt  }
0x5b: {  	_ =	shalt  }
0x5c: {  	_ =	shalt  }
0x5d: {  	_ =	shalt  }
0x5e: {  	_ =	shalt  }
0x5f: {  	_ =	shalt  }
0x60: {  	_ =	shalt  }
0x61: {  	_ =	shalt  }
0x62: {  	_ =	shalt  }
0x63: {  	_ =	shalt  }
0x64: {  	_ =	shalt  }
0x65: {  	_ =	shalt  }
0x66: {  	_ =	shalt  }
0x67: {  	_ =	shalt  }
0x68: {  	_ =	shalt  }
0x69: {  	_ =	shalt  }
0x6a: {  	_ =	shalt  }
0x6b: {  	_ =	shalt  }
0x6c: {  	_ =	shalt  }
0x6d: {  	_ =	shalt  }
0x6e: {  	_ =	shalt  }
0x6f: {  	_ =	shalt  }
0x70: {  	_ =	shalt  }
0x71: {  	_ =	shalt  }
0x72: {  	_ =	shalt  }
0x73: {  	_ =	shalt  }
0x74: {  	_ =	shalt  }
0x75: {  	_ =	shalt  }
0x76: {  	_ =	shalt  }
0x77: {  	_ =	shalt  }
0x78: {  	_ =	shalt  }
0x79: {  	_ =	shalt  }
0x7a: {  	_ =	shalt  }
0x7b: {  	_ =	shalt  }
0x7c: {  	_ =	shalt  }
0x7d: {  	_ =	shalt  }
0x7e: {  	_ =	shalt  }
0x7f: {  	_ =	shalt  }
0x80: {  	_ =	shalt  }
0x81: {  	_ =	shalt  }
0x82: {  	_ =	shalt  }
0x83: {  	_ =	shalt  }
0x84: {  	_ =	shalt  }
0x85: {  	_ =	shalt  }
0x86: {  	_ =	shalt  }
0x87: {  	_ =	shalt  }
.Lfunc_end0:
.L_simem_size_0:
called_computation_lowered:
.L_overlay_start_0:
0x88: {  	s2 =	sld [smem:$0x3FD9]  }
0x89: {  	s3 =	sld [smem:$0x3FFE];
	_ =	sdelay $0x1  }
0x8a: {  	s1 =	srdreg.scid  }
0x8b: {  	s0 =	sand.u32 $0x1, s1  }
0x8c: {  	s17 =	sshll.u32 s0, $0xA;
	s2 =	sadd.s32 s3, s2  }
0x8d: {  	s2 =	sadd.s32 s2, s17  }
0x8e: {  	[smem:$0x3FBB] =	sst s2  }
0x8f: {  	_ = 	snop  }
0x90: {  	s2 =	sld [smem:$0x3FC9]  }
0x91: {  	s18 =	sld [smem:$0x3FD0];
	(tm) =	ssettm $0x1  }
0x92: {  	s4 =	sld [smem:$0x3FFB];
	_ =	sdelay $0x3  }
0x93: {  	_ =	strace s4  }
0x94: {  	s4 =	sld [smem:$0x3FFC];
	_ =	sdelay $0x3  }
0x95: {  	_ =	strace s4  }
0x96: {  	s4 =	sld [smem:$0x3FFD];
	_ =	sdelay $0x3  }
0x97: {  	_ =	strace s4  }
0x98: {  	_ =	strace $0x8FFFFFFF  }
0x99: {  	s19 =	sld [smem:$0x3FDB];
	_ =	sdelay $0x1  }
0x9a: {  	s5 =	simm.s32 $_scs_section_size  }
0x9b: {  	s6 =	simm.s32 $_size__tile_overlayer_lowered;
	s7 =	simm.s32 $_tile_overlayer_lowered  }
0x9c: {  	s22 =	simm.s32 $0x1BFF;
	s21 =	sshll.u32 s7, $0x1;
	s4 =	sadd.s32 s5, s19  }
0x9d: {  	s8 =	simm.s32 $0x0;
	s20 =	sshll.u32 s6, $0x1;
	s6 =	sadd.s32 s21, s4  }
0x9e: {  	[timem:s8], [sflag:s22] =	dma.local [hbm:s6], s20  }
0x9f: {  	_ =	swait.ge [sflag:s22], s20  }
0xa0: {  	s5 =	ssub.s32 $0x0, s20;
	[sflag:s22] =	ssyncset.done $0x0  }
0xa1: {  	[sflag:s22] =	ssyncadd.s32 s5;
	_ =	sdelay $0x1  }
0xa2: {  	s23 =	simm.s32 $0x1B8B  }
0xa3: {  	_ =	swait.ge [sflag:s23], $0x1  }
0xa4: {  	[sflag:s23] =	ssyncset.done $0x0  }
0xa5: {  	s25 =	simm.s32 $0x1B8E;
	s24 =	sld [smem:$0x3FFE];
	[sflag:s23] =	ssyncadd.s32 $0xFFFFFFFF  }
0xa6: {  	s26 =	simm.s32 $execute0_lowered;
	[smem:$0x3FD2] =	sst s25  }
0xa7: {  	s6 =	sshll.u32 s26, $0x1;
	_ =	strace $0x80000046;
	[dreg:$0x1] =	wrdreg $0xFFFFFFFF  }
0xa8: {  	s28 =	simm.s32 $_size_execute0_lowered;
	s4 =	sadd.s32 s4, s6;
	[dreg:$0x0] =	wrdreg $0x0  }
0xa9: {  	s6 =	sshll.u32 s28, $0x1;
	[dreg:$0x2] =	wrdreg s4  }
0xaa: {  	[dreg:$0x3] =	wrdreg s6  }
0xab: {  	[dreg:$0x4] =	wrdreg $0xC0  }
0xac: {  	_ =	task [dreg:s8], $0x5FFFF  }
0xad: {  	[dreg:$0x1] =	wrdreg $0xFFFFFFFF  }
0xae: {  	[dreg:$0x0] =	wrdreg $0x60  }
0xaf: {  	[dreg:$0x2] =	wrdreg s2  }
0xb0: {  	[dreg:$0x3] =	wrdreg s18  }
0xb1: {  	[dreg:$0x4] =	wrdreg s24  }
0xb2: {  	[dreg:$0x5] =	wrdreg $0x66000  }
0xb3: {  	[dreg:$0x6] =	wrdreg $0x9  }
0xb4: {  	_ =	task.clear_ibuf [dreg:s8], $0x7FFFF;
	_ =	strace $0x90000046  }
0xb5: {  	s29 =	simm.s32 $0x9;
	_ =	strace $0x80000048  }
0xb6: {  	_ =	swait.ge [sflag:s29], $0x1  }
0xb7: {  	[sflag:s29] =	ssyncadd.s32 $0xFFFFFFFF  }
0xb8: {  	_ =	strace $0x90000048  }
0xb9: {  	_ =	sfence  }
0xba: {  	s30 =	sld [smem:$0x0];
	_ =	sdelay $0x2  }
0xbb: {  	s31 =	sshll.u32 s1, $0xD;
	s1 =	sshrl.u32 s1, $0x2  }
0xbc: {  	s3 =	sand.u32 $0x4000, s31;
	s1 =	sadd.s32 s1, s30  }
0xbd: {  	s0 =	sor.u32 s3, s0;
	s1 =	sshll.u32 s1, $0x11  }
0xbe: {  	s0 =	sor.u32 s1, s0  }
0xbf: {  	s0 =	sadd.s32 $0x8F2B, s0  }
0xc0: {  	[sflag:s0] =	ssyncadd.remote.s32 $0x1  }
0xc1: {  	_ =	sfence.sel $0xFFFF  }
0xc2: {  	[dreg:$0x0] =	wrdreg $0xFFFFFFFF;
	(pc) =	sbr.abs _section_cstart, $3  }
0xc3: {  	[dreg:$0x1] =	wrdreg $0xFFFFFFFF  }
0xc4: {  	_ =	task.clear_ibuf [dreg:s8], $0x2FFFF;
	_ =	strace $0x9FFFFFFF  }
0xc5: {  	(tm) =	ssettm $0x7FFFFFFF  }
tec
execute0_lowered:
.L_overlay_start_1:
0x0: {  	(tag) =	ssettag $0x1  }
0x1: {  	s1 =	rddreg [dreg:$0x0]  }
0x2: {  	s14 =	rddreg [dreg:$0x1]  }
0x3: {  	s5 =	rddreg [dreg:$0x2]  }
0x4: {  	s3 =	rddreg [dreg:$0x3]  }
0x5: {  	s0 =	rddreg [dreg:$0x4];
	s4 =	simm.s32 $0x0;
	s2 =	stileid.u32  }
0x6: {  	s6 =	srdreg.scid;
	s17 =	simm.s32 $0x100;
	s18 =	simm.s32 $0xC8  }
0x7: {  	s19 =	simm.s32 $0x1;
	s20 =	simm.s32 $0x0;
	s7 =	smul.u32 $0x4E000, s2  }
0x8: {  	[smem:$0x7FF] =	sst s4;
	s10 =	sadd.s32 $0x2800, s5;
	s12 =	smul.u32 $0x13800, s2  }
0x9: {  	s8 =	sand.u32 $0x1, s6;
	s16 =	smul.u32 $0x2710, s2;
	s9 =	sadd.s32 $0x138000, s3  }
0xa: {  	p0 =	sne.s32 s2, $0xF;
	s6 =	ssub.s32 $0x2, s8;
	s11 =	smul.u32 $0x138800, s8  }
0xb: {  	s15 =	smul.u32 $0x27100, s8;
	s28 =	sshrl.u32 s7, $0x2;
	s29 =	sshrl.u32 s6, $0x1  }
0xc: {  	_ =	strace $0x80000047;
	s5 =	sadd.s32 s28, s3;
	s13 =	ssub.s32 s6, s29  }
0xd: {  	s12 =	sadd.s32 s12, s11;
	s11 =	sshrl.u32 s11, $0x3;
	s15 =	sadd.s32 s16, s15  }
0xe: {  	s6 =	sadd.s32 $0x6400, s5;
	s7 =	sadd.s32 $0xC800, s5;
	s8 =	sadd.s32 $0x12C00, s5  }
0xf: {  	s12 =	sshrl.u32 s12, $0x3;
	s11 =	sadd.s32 s10, s11;
	s16 =	sadd.s32 $0x4E200, s15  }
0x10: {  	s30 =	sshrl.u32 s15, $0x3;
	s15 =	simm.s32 $0x200;
	s10 =	sadd.s32 s10, s12  }
0x11: {  	s11 =	sadd.s32 $0x27000, s11;
	s12 =	smax.u32 s13, $0x1;
	s31 =	sshrl.u32 s16, $0x3  }
0x12: {  	v0 =	vimm.f32 $0.0e+00;
	s13 =	sadd.s32 s30, s14;
	s16 =	simm.s32 $0x2;
	s14 =	sadd.s32 s31, s14  }
.LBB2_1:
0x13: {  	s21 =	simm.s32 $0x0;
	s22 =	simm.s32 $0x200  }
.LBB2_2:
0x14: {  	p1 =	sne.s32 s22, $0x18E00;
	[tilespmem:s21+$0x270] =	vst v0  }
0x15: {  	[tilespmem:s21+$0x200] =	vst v0  }
0x16: {  	[tilespmem:s21+$0x210] =	vst v0  }
.Ltmp0:
0x17: {  	[tilespmem:s21+$0x220] =	vst v0;
	(pc) =	sbr.rel @p1 .LBB2_2-.Ltmp0, $4  }
0x18: {  	[tilespmem:s21+$0x230] =	vst v0  }
0x19: {  	[tilespmem:s21+$0x240] =	vst v0  }
0x1a: {  	[tilespmem:s21+$0x250] =	vst v0  }
0x1b: {  	[tilespmem:s21+$0x260] =	vst v0;
	s21 =	sshra.s32 s22, $0x2;
	s22 =	sadd.s32 $0x200, s22  }
0x1c: {  	[tilespmem:s21+$0x270] =	vst v0  }
0x1d: {  	[tilespmem:s21+$0x200] =	vst v0  }
0x1e: {  	[tilespmem:s21+$0x210] =	vst v0  }
0x1f: {  	[tilespmem:s21+$0x220] =	vst v0  }
0x20: {  	[tilespmem:s21+$0x230] =	vst v0  }
0x21: {  	[tilespmem:s21+$0x240] =	vst v0  }
0x22: {  	[tilespmem:s21+$0x250] =	vst v0  }
0x23: {  	[tilespmem:s21+$0x260] =	vst v0  }
0x24: {  	[spmem:s5] =	stream.linear.scatter [tilespmem:s15], [sflag:$0x2], $0x6400, $0x38;
	[tilespmem:$0x19E80] =	vst v63  }
0x25: {  	_ =	swait.ge [sflag:s16], $0x6400  }
0x26: {  	[sflag:s16] =	ssyncset.done $0x0  }
0x27: {  	[sflag:s16] =	ssyncadd.s32 $0xFFFF9C00  }
0x28: {  	[spmem:s6] =	stream.linear.scatter [tilespmem:s15], [sflag:$0x2], $0x6400, $0x38;
	[tilespmem:$0x19E80] =	vst v63  }
0x29: {  	_ =	swait.ge [sflag:s16], $0x6400  }
0x2a: {  	[sflag:s16] =	ssyncset.done $0x0  }
0x2b: {  	[sflag:s16] =	ssyncadd.s32 $0xFFFF9C00  }
0x2c: {  	[spmem:s7] =	stream.linear.scatter [tilespmem:s15], [sflag:$0x2], $0x6400, $0x38;
	[tilespmem:$0x19E80] =	vst v63  }
0x2d: {  	_ =	swait.ge [sflag:s16], $0x6400  }
0x2e: {  	[sflag:s16] =	ssyncset.done $0x0  }
0x2f: {  	[sflag:s16] =	ssyncadd.s32 $0xFFFF9C00  }
0x30: {  	[spmem:s8] =	stream.linear.scatter [tilespmem:s15], [sflag:$0x2], $0xC00, $0x38;
	[tilespmem:$0x19E80] =	vst v63  }
0x31: {  	_ =	swait.ge [sflag:s16], $0xC00  }
0x32: {  	[sflag:s16] =	ssyncset.done $0x0  }
0x33: {  	s21 =	simm.s32 @!p0 $0x200;
	[sflag:s16] =	ssyncadd.s32 $0xFFFFF400  }
0x34: {  	[spmem:s9] =	stream.linear.scatter @!p0 [tilespmem:s21], [sflag:$0x2], $0x800, $0x38;
	[tilespmem:$0x19E80] =	vst v63  }
0x35: {  	s21 =	simm.s32 @!p0 $0x2  }
0x36: {  	_ =	swait.ge @!p0 [sflag:s21], $0x800  }
0x37: {  	[sflag:s21] =	ssyncset.done @!p0 $0x0  }
0x38: {  	[sflag:s21] =	ssyncadd.s32 @!p0 $0xFFFFF800  }
0x39: {  	s30 =	sadd.s32 $0x0, s13;
	[bflag:$0x0] =	sbarrier.arrive $0xFFFF  }
0x3a: {  	[tilespmem:s4], [sflag:$0x2] =	stream.linear.gather [hbm4b:s30+s4], $0xC8, $0x38;
	[tilespmem:$0x19E80] =	vst v63  }
0x3b: {  	_ =	swait.ge [sflag:s16], $0xC8  }
0x3c: {  	[sflag:s16] =	ssyncset.done $0x0  }
0x3d: {  	s31 =	sadd.s32 $0x0, s14;
	[sflag:s16] =	ssyncadd.s32 $0xFFFFFF38  }
0x3e: {  	[tilespmem:s17], [sflag:$0x2] =	stream.linear.gather [hbm4b:s31+s4], $0xC8, $0x38;
	[tilespmem:$0x19E80] =	vst v63  }
0x3f: {  	_ =	swait.ge [sflag:s16], $0xC8  }
0x40: {  	[sflag:s16] =	ssyncset.done $0x0  }
0x41: {  	[sflag:s16] =	ssyncadd.s32 $0xFFFFFF38  }
0x42: {  	[tilespmem:s15], [sflag:$0x1] =	stream.indirect.gather [hbm4b:s1+s18], $0x80, s4, s18, $0xb8;
	[tilespmem:$0x19E80] =	vst v63  }
0x43: {  	_ =	swait.ge [sflag:s19], $0x6400  }
0x44: {  	[sflag:s19] =	ssyncset.done $0x0  }
0x45: {  	[sflag:s19] =	ssyncadd.s32 $0xFFFF9C00  }
0x46: {  	[spmem:s3] =	stream.indirect.scatter.add.f32 [tilespmem:s15], [sflag:$0x2], $0x80, s17, s18, $0xb8;
	[tilespmem:$0x19E80] =	vst v63  }
0x47: {  	_ =	swait.ge [sflag:s16], $0x6400  }
0x48: {  	s22 =	simm.s32 $0x32;
	s21 =	simm.s32 $0x19;
	[sflag:s16] =	ssyncset.done $0x0  }
.LBB2_4:
0x49: {  	s23 =	sadd.s32 s21, s13  }
0x4a: {  	[sflag:s16] =	ssyncadd.s32 $0xFFFF9C00;
	s24 =	smov.u32 s22;
	s25 =	sadd.s32 $0x19, s22  }
0x4b: {  	[tilespmem:s4], [sflag:$0x2] =	stream.linear.gather [hbm4b:s23+s4], $0xC8, $0x38;
	[tilespmem:$0x19E80] =	vst v63  }
0x4c: {  	p1 =	sne.s32 s22, $0x4C9;
	_ =	swait.ge [sflag:s16], $0xC8  }
0x4d: {  	[sflag:s16] =	ssyncset.done $0x0  }
0x4e: {  	s22 =	sadd.s32 s21, s14;
	s21 =	smov.u32 s24;
	[sflag:s16] =	ssyncadd.s32 $0xFFFFFF38  }
0x4f: {  	[tilespmem:s17], [sflag:$0x2] =	stream.linear.gather [hbm4b:s22+s4], $0xC8, $0x38;
	[tilespmem:$0x19E80] =	vst v63  }
0x50: {  	_ =	swait.ge [sflag:s16], $0xC8  }
0x51: {  	[sflag:s16] =	ssyncset.done $0x0  }
0x52: {  	[sflag:s16] =	ssyncadd.s32 $0xFFFFFF38  }
0x53: {  	[tilespmem:s15], [sflag:$0x1] =	stream.indirect.gather [hbm4b:s1+s18], $0x80, s4, s18, $0xb8;
	[tilespmem:$0x19E80] =	vst v63  }
0x54: {  	_ =	swait.ge [sflag:s19], $0x6400  }
.Ltmp1:
0x55: {  	[sflag:s19] =	ssyncset.done $0x0;
	(pc) =	sbr.rel @p1 .LBB2_4-.Ltmp1, $4  }
0x56: {  	[sflag:s19] =	ssyncadd.s32 $0xFFFF9C00  }
0x57: {  	[spmem:s3] =	stream.indirect.scatter.add.f32 [tilespmem:s15], [sflag:$0x2], $0x80, s17, s18, $0xb8;
	[tilespmem:$0x19E80] =	vst v63  }
0x58: {  	_ =	swait.ge [sflag:s16], $0x6400  }
0x59: {  	s22 =	smov.u32 s25;
	[sflag:s16] =	ssyncset.done $0x0  }
0x5a: {  	s22 =	sadd.s32 s21, s13;
	[sflag:s16] =	ssyncadd.s32 $0xFFFF9C00  }
0x5b: {  	[tilespmem:s4], [sflag:$0x2] =	stream.linear.gather [hbm4b:s22+s4], $0xC8, $0x38;
	[tilespmem:$0x19E80] =	vst v63  }
0x5c: {  	_ =	swait.ge [sflag:s16], $0xC8  }
0x5d: {  	[sflag:s16] =	ssyncset.done $0x0  }
0x5e: {  	s29 =	sadd.s32 s21, s14;
	[sflag:s16] =	ssyncadd.s32 $0xFFFFFF38  }
0x5f: {  	[tilespmem:s17], [sflag:$0x2] =	stream.linear.gather [hbm4b:s29+s4], $0xC8, $0x38;
	[tilespmem:$0x19E80] =	vst v63  }
0x60: {  	_ =	swait.ge [sflag:s16], $0xC8  }
0x61: {  	[sflag:s16] =	ssyncset.done $0x0  }
0x62: {  	[sflag:s16] =	ssyncadd.s32 $0xFFFFFF38  }
0x63: {  	[tilespmem:s15], [sflag:$0x1] =	stream.indirect.gather [hbm4b:s1+s18], $0x80, s4, s18, $0xb8;
	[tilespmem:$0x19E80] =	vst v63  }
0x64: {  	_ =	swait.ge [sflag:s19], $0x6400  }
0x65: {  	[sflag:s19] =	ssyncset.done $0x0  }
0x66: {  	[sflag:s19] =	ssyncadd.s32 $0xFFFF9C00  }
0x67: {  	[spmem:s3] =	stream.indirect.scatter.add.f32 [tilespmem:s15], [sflag:$0x2], $0x80, s17, s18, $0xb8;
	[tilespmem:$0x19E80] =	vst v63  }
0x68: {  	_ =	swait.ge [sflag:s16], $0x6400  }
0x69: {  	[sflag:s16] =	ssyncset.done $0x0  }
0x6a: {  	s30 =	sshll.u32 s2, $0x6;
	[sflag:s16] =	ssyncadd.s32 $0xFFFF9C00  }
0x6b: {  	s31 =	sshrl.u32 s5, $0x3;
	s21 =	sor.u32 $0x1C02, s30;
	[bflag:$0x0] =	sbarrier.arrive $0xFFFF  }
0x6c: {  	[hbm:s10], [sflag:s21] =	dma.local [spmem:s31], $0x2700  }
0x6d: {  	_ =	swait.ge [sflag:s16], $0x2700  }
0x6e: {  	s20 =	sadd.s32 $0x1, s20;
	[sflag:s16] =	ssyncset.done $0x0  }
0x6f: {  	s22 =	sshrl.u32 @!p0 s9, $0x3;
	p1 =	sne.s32 s20, s12;
	[sflag:s16] =	ssyncadd.s32 $0xFFFFD900  }
0x70: {  	[hbm:s11], [sflag:s21] =	dma.local @!p0 [spmem:s22], $0x100  }
.Ltmp2:
0x71: {  	_ = 	snop;
	(pc) =	sbr.rel @p1 .LBB2_1-.Ltmp2, $4  }
0x72: {  	s21 =	simm.s32 @!p0 $0x2  }
0x73: {  	_ =	swait.ge @!p0 [sflag:s21], $0x100  }
0x74: {  	[sflag:s21] =	ssyncset.done @!p0 $0x0  }
0x75: {  	[sflag:s21] =	ssyncadd.s32 @!p0 $0xFFFFFF00  }
0x76: {  	_ =	sfence.sel $0x180000  }
0x77: {  	[bflag:$0x0] =	sbarrier.arrive $0xFFFF  }
0x78: {  	p0 =	sne.s32 s2, $0x0;
	_ =	strace $0x90000047  }
0x79: {  	s0 =	sadd.s32 @!p0 $0x100000, s0;
	[bflag:$0x2] =	sbarrier.arrive $0xFFFF  }
0x7a: {  	[sflag:s0] =	ssyncadd.tile.s32 @!p0 $0x1;
	_ =	shalt  }
.Lfunc_end2:
_tile_overlayer_lowered:
.L_overlay_start_2:
0x7b: {  	(tag) =	ssettag $0x2  }
0x7c: {  	s0 =	rddreg [dreg:$0x0];
	s2 =	stileid.u32  }
0x7d: {  	s1 =	rddreg [dreg:$0x1];
	p0 =	sne.s32 s2, $0x0  }
0x7e: {  	s3 =	rddreg [dreg:$0x2];
	[bflag:$0x3] =	sbarrier.arrive $0xFFFF;
	s2 =	simm.s32 @!p0 $0x1C02  }
0x7f: {  	[timem:s3], [sflag:s2] =	dma.local @!p0 [hbm:s0], s1  }
0x80: {  	s0 =	simm.s32 @!p0 $0x2  }
0x81: {  	_ =	swait.ge @!p0 [sflag:s0], s1  }
0x82: {  	s1 =	ssub.s32 @!p0 $0x0, s1;
	[sflag:s0] =	ssyncset.done @!p0 $0x0  }
0x83: {  	[sflag:s0] =	ssyncadd.s32 @!p0 s1  }
0x84: {  	[bflag:$0x3] =	sbarrier.arrive $0xFFFF  }
0x85: {  	_ =	shalt  }

</sc_bundles>
